<compile_context>
chip_gen: v7x
topology: tpu7x:2x2x1
jax: 0.10.2.dev20260603
libtpu: 0.0.44.dev20260713+nightly
codegen_flags: <defaults>
</compile_context>

<pallas_src>
import functools

import jax
import jax.numpy as jnp
from jax import lax
from jax.experimental import pallas as pl
from jax.experimental.pallas import tpu as pltpu
from jax.experimental.pallas import tpu_sc as plsc

NUM_GATES = 65536
DATA_DIM = 262144
NUM_WORDS = DATA_DIM // 32
NUM_WORKERS = 32
GATES_PER_WORKER = NUM_GATES // NUM_WORKERS
LANES = 16
ITERS = GATES_PER_WORKER // LANES


def _gate_body(table_hbm, a_hbm, b_hbm, out_hbm, table_v, a_v, b_v, o_v,
               sem):
    wid = lax.axis_index("s") * 2 + lax.axis_index("c")
    base = wid * GATES_PER_WORKER
    cp_t = pltpu.async_copy(table_hbm, table_v, sem)
    cp_a = pltpu.async_copy(a_hbm.at[pl.ds(base, GATES_PER_WORKER)], a_v, sem)
    cp_b = pltpu.async_copy(b_hbm.at[pl.ds(base, GATES_PER_WORKER)], b_v, sem)
    cp_t.wait()
    cp_a.wait()
    cp_b.wait()

    def step(off):
        av = a_v[pl.ds(off, LANES)]
        bv = b_v[pl.ds(off, LANES)]
        ta = plsc.load_gather(table_v, [av & (NUM_WORDS - 1)])
        tb = plsc.load_gather(table_v, [bv & (NUM_WORDS - 1)])
        o_v[pl.ds(off, LANES)] = (ta >> (av >> 13)) & (tb >> (bv >> 13)) & 1

    def body(i, carry):
        step(i * LANES)
        return carry

    lax.fori_loop(0, ITERS, body, 0)
    pltpu.sync_copy(o_v, out_hbm.at[pl.ds(base, GATES_PER_WORKER)])


_gate_kernel = functools.partial(
    pl.kernel,
    out_type=jax.ShapeDtypeStruct((NUM_GATES,), jnp.int32),
    mesh=plsc.VectorSubcoreMesh(core_axis_name="c", subcore_axis_name="s"),
    scratch_types=[
        pltpu.VMEM((NUM_WORDS,), jnp.int32),
        pltpu.VMEM((GATES_PER_WORKER,), jnp.int32),
        pltpu.VMEM((GATES_PER_WORKER,), jnp.int32),
        pltpu.VMEM((GATES_PER_WORKER,), jnp.int32),
        pltpu.SemaphoreType.DMA,
    ],
    compiler_params=pltpu.CompilerParams(needs_layout_passes=False),
)(_gate_body)


def kernel(input_values, input_idxs):
    idx = input_idxs.astype(jnp.int32)
    a = idx[:, 0]
    b = idx[:, 1]
    bits = input_values.reshape(32, NUM_WORDS).astype(jnp.int32)
    table = jnp.sum(bits << jnp.arange(32, dtype=jnp.int32)[:, None], axis=0,
                    dtype=jnp.int32)
    out = _gate_kernel(table, a, b)
    return out.astype(bool)

# --- scband reference (transcript-rebuilt; emitter-appended) ---
"""Pipeline reference for scband-layer-29351806501586 (READ-ONLY COPY).

The authoritative reference and input builder live on the scoring server;
editing this copy changes nothing except your own understanding.
"""

import jax, jax.numpy as jnp
import numpy as np

NUM_GATES = 65536
OP_DIM = 2
DATA_DIM = 262144


def setup_inputs(seed: int = 0) -> dict:
    key = jax.random.key(seed)
    k1, k2 = jax.random.split(key)
    # boolean input wires (data_dim,)
    input_values = jax.random.randint(k1, (DATA_DIM,), 0, 2).astype(bool)
    # per-gate fan-in indices; this is the Gate.input_idxs module state,
    # stacked across all gates in the Layer: [num_gates, op_dim]
    input_idxs = jax.random.randint(k2, (NUM_GATES, OP_DIM), 0, DATA_DIM).astype(jnp.int64)
    return {"input_values": input_values, "input_idxs": input_idxs}


def reference(input_values, input_idxs):
    # Layer.__call__: for each gate, gather input_values[gate.input_idxs]
    # and apply the gate's boolean Operation. We vectorize the python list
    # comprehension over gates: gather is [num_gates, op_dim].
    gathered = jnp.take(input_values, input_idxs, axis=0)  # bool [G, op_dim]
    # Concrete Operation: AND over the gate's fan-in (jnp.all), the canonical
    # boolean reduction used by such Gate subclasses.
    out = jnp.all(gathered, axis=-1)  # bool [G]
    return out

if __name__ == "__main__":
    import jax
    _d = setup_inputs()
    print(jax.jit(kernel)(*tuple(_d.values())))

</pallas_src>

<mosaic_0001>
#map = affine_map<(d0, d1) -> (0)>
module attributes {stable_mosaic.version = 14 : i64} {
  func.func @_gate_body(%arg0: i32, %arg1: i32, %arg2: memref<8192xi32, #tpu.memory_space<hbm>>, %arg3: memref<65536xi32, #tpu.memory_space<hbm>>, %arg4: memref<65536xi32, #tpu.memory_space<hbm>>, %arg5: memref<65536xi32, #tpu.memory_space<hbm>>, %arg6: memref<8192xi32, #tpu.memory_space<vmem>>, %arg7: memref<2048xi32, #tpu.memory_space<vmem>>, %arg8: memref<2048xi32, #tpu.memory_space<vmem>>, %arg9: memref<2048xi32, #tpu.memory_space<vmem>>, %arg10: memref<!tpu.dma_semaphore, #tpu.memory_space<semaphore_mem>>) attributes {dimension_semantics = [#tpu.dimension_semantics<core_parallel>, #tpu.dimension_semantics<subcore_parallel>], iteration_bounds = array<i64: 2, 16>, scalar_prefetch = 0 : i64, scratch_operands = 5 : i64, tpu.core_type = #tpu.core_type<sc_vector_subcore>, window_params = [{transform_indices = #map}, {transform_indices = #map}, {transform_indices = #map}, {transform_indices = #map}]} {
    %mul3A = arith.constant 2 : i32
    %mul3A_0 = arith.muli %arg1, %mul3A : i32
    %add3A = arith.addi %mul3A_0, %arg0 : i32
    %mul3A_1 = arith.constant 2048 : i32
    %mul3A_2 = arith.muli %add3A, %mul3A_1 : i32
    tpu.enqueue_dma source(%arg2 : memref<8192xi32, #tpu.memory_space<hbm>>) target(%arg6 : memref<8192xi32, #tpu.memory_space<vmem>>) target_semaphore(%arg10 : memref<!tpu.dma_semaphore, #tpu.memory_space<semaphore_mem>>)
    %dma_start3A = tpu.memref_slice %arg3[%mul3A_2] : memref<65536xi32, #tpu.memory_space<hbm>> -> memref<2048xi32, #tpu.memory_space<hbm>>
    %dma_start3A_3 = tpu.memref_slice %arg3[%mul3A_2] : memref<65536xi32, #tpu.memory_space<hbm>> -> memref<2048xi32, #tpu.memory_space<hbm>>
    tpu.enqueue_dma source(%dma_start3A_3 : memref<2048xi32, #tpu.memory_space<hbm>>) target(%arg7 : memref<2048xi32, #tpu.memory_space<vmem>>) target_semaphore(%arg10 : memref<!tpu.dma_semaphore, #tpu.memory_space<semaphore_mem>>)
    %dma_start3A_4 = tpu.memref_slice %arg4[%mul3A_2] : memref<65536xi32, #tpu.memory_space<hbm>> -> memref<2048xi32, #tpu.memory_space<hbm>>
    %dma_start3A_5 = tpu.memref_slice %arg4[%mul3A_2] : memref<65536xi32, #tpu.memory_space<hbm>> -> memref<2048xi32, #tpu.memory_space<hbm>>
    tpu.enqueue_dma source(%dma_start3A_5 : memref<2048xi32, #tpu.memory_space<hbm>>) target(%arg8 : memref<2048xi32, #tpu.memory_space<vmem>>) target_semaphore(%arg10 : memref<!tpu.dma_semaphore, #tpu.memory_space<semaphore_mem>>)
    tpu.wait_dma2 semaphore(%arg10 : memref<!tpu.dma_semaphore, #tpu.memory_space<semaphore_mem>>) src(%arg2 : memref<8192xi32, #tpu.memory_space<hbm>>) dst(%arg6 : memref<8192xi32, #tpu.memory_space<vmem>>)
    %dma_wait3A = tpu.memref_slice %arg3[%mul3A_2] : memref<65536xi32, #tpu.memory_space<hbm>> -> memref<2048xi32, #tpu.memory_space<hbm>>
    %dma_wait3A_6 = tpu.memref_slice %arg3[%mul3A_2] : memref<65536xi32, #tpu.memory_space<hbm>> -> memref<2048xi32, #tpu.memory_space<hbm>>
    tpu.wait_dma2 semaphore(%arg10 : memref<!tpu.dma_semaphore, #tpu.memory_space<semaphore_mem>>) src(%dma_wait3A_6 : memref<2048xi32, #tpu.memory_space<hbm>>) dst(%arg7 : memref<2048xi32, #tpu.memory_space<vmem>>)
    %dma_wait3A_7 = tpu.memref_slice %arg4[%mul3A_2] : memref<65536xi32, #tpu.memory_space<hbm>> -> memref<2048xi32, #tpu.memory_space<hbm>>
    %dma_wait3A_8 = tpu.memref_slice %arg4[%mul3A_2] : memref<65536xi32, #tpu.memory_space<hbm>> -> memref<2048xi32, #tpu.memory_space<hbm>>
    tpu.wait_dma2 semaphore(%arg10 : memref<!tpu.dma_semaphore, #tpu.memory_space<semaphore_mem>>) src(%dma_wait3A_8 : memref<2048xi32, #tpu.memory_space<hbm>>) dst(%arg8 : memref<2048xi32, #tpu.memory_space<vmem>>)
    %scan3A = arith.constant 0 : i32
    %scan3A_9 = arith.constant 0 : i32
    %scan3A_10 = arith.constant 128 : i32
    %scan3A_11 = arith.addi %scan3A_9, %scan3A_10 : i32
    %scan3A_12 = arith.constant 1 : i32
    scf.for %scan3A_14 = %scan3A_9 to %scan3A_11 step %scan3A_12  : i32 {
      %mul3A_15 = arith.constant 16 : i32
      %mul3A_16 = arith.muli %scan3A_14, %mul3A_15 : i32
      %get3A = arith.index_cast %mul3A_16 : i32 to index
      %get3A_17 = tpu.vector_load %arg7[%get3A] {strides = array<i32>} : memref<2048xi32, #tpu.memory_space<vmem>>, vector<16xi32>,
      %get3A_18 = arith.index_cast %mul3A_16 : i32 to index
      %get3A_19 = tpu.vector_load %arg8[%get3A_18] {strides = array<i32>} : memref<2048xi32, #tpu.memory_space<vmem>>, vector<16xi32>,
      %and3A = arith.constant 8191 : i32
      %and3A_20 = vector.broadcast %and3A : i32 to vector<16xi32>
      %and3A_21 = arith.andi %get3A_17, %and3A_20 : vector<16xi32>
      %gather3A = tpu.vector_load_idx %arg6[%and3A_21] : memref<8192xi32, #tpu.memory_space<vmem>>[vector<16xi32>], vector<16xi32>,
      %and3A_22 = arith.constant 8191 : i32
      %and3A_23 = vector.broadcast %and3A_22 : i32 to vector<16xi32>
      %and3A_24 = arith.andi %get3A_19, %and3A_23 : vector<16xi32>
      %gather3A_25 = tpu.vector_load_idx %arg6[%and3A_24] : memref<8192xi32, #tpu.memory_space<vmem>>[vector<16xi32>], vector<16xi32>,
      %shift_right_arithmetic3A = arith.constant 13 : i32
      %shift_right_arithmetic3A_26 = vector.broadcast %shift_right_arithmetic3A : i32 to vector<16xi32>
      %shift_right_arithmetic3A_27 = arith.shrsi %get3A_17, %shift_right_arithmetic3A_26 : vector<16xi32>
      %shift_right_arithmetic3A_28 = arith.shrsi %gather3A, %shift_right_arithmetic3A_27 : vector<16xi32>
      %shift_right_arithmetic3A_29 = arith.constant 13 : i32
      %shift_right_arithmetic3A_30 = vector.broadcast %shift_right_arithmetic3A_29 : i32 to vector<16xi32>
      %shift_right_arithmetic3A_31 = arith.shrsi %get3A_19, %shift_right_arithmetic3A_30 : vector<16xi32>
      %shift_right_arithmetic3A_32 = arith.shrsi %gather3A_25, %shift_right_arithmetic3A_31 : vector<16xi32>
      %and3A_33 = arith.andi %shift_right_arithmetic3A_28, %shift_right_arithmetic3A_32 : vector<16xi32>
      %and3A_34 = arith.constant 1 : i32
      %and3A_35 = vector.broadcast %and3A_34 : i32 to vector<16xi32>
      %and3A_36 = arith.andi %and3A_33, %and3A_35 : vector<16xi32>
      %swap3A = arith.index_cast %mul3A_16 : i32 to index
      %swap3A_37 = tpu.vector_load %arg9[%swap3A] {strides = array<i32>} : memref<2048xi32, #tpu.memory_space<vmem>>, vector<16xi32>,
      tpu.vector_store %arg9[%swap3A], %and3A_36 {strides = array<i32>} : memref<2048xi32, #tpu.memory_space<vmem>>, vector<16xi32>,
    }
    %scan3A_13 = arith.constant 128 : i32
    "tpu.region"() ({
      %run_scoped3A = tpu.sem_alloc : memref<!tpu.dma_semaphore, #tpu.memory_space<semaphore_mem>>
      %dma_start3A_14 = tpu.memref_slice %arg5[%mul3A_2] : memref<65536xi32, #tpu.memory_space<hbm>> -> memref<2048xi32, #tpu.memory_space<hbm>>
      %dma_start3A_15 = tpu.memref_slice %arg5[%mul3A_2] : memref<65536xi32, #tpu.memory_space<hbm>> -> memref<2048xi32, #tpu.memory_space<hbm>>
      tpu.enqueue_dma source(%arg9 : memref<2048xi32, #tpu.memory_space<vmem>>) target(%dma_start3A_15 : memref<2048xi32, #tpu.memory_space<hbm>>) target_semaphore(%run_scoped3A : memref<!tpu.dma_semaphore, #tpu.memory_space<semaphore_mem>>)
      %dma_wait3A_16 = tpu.memref_slice %arg5[%mul3A_2] : memref<65536xi32, #tpu.memory_space<hbm>> -> memref<2048xi32, #tpu.memory_space<hbm>>
      %dma_wait3A_17 = tpu.memref_slice %arg5[%mul3A_2] : memref<65536xi32, #tpu.memory_space<hbm>> -> memref<2048xi32, #tpu.memory_space<hbm>>
      tpu.wait_dma2 semaphore(%run_scoped3A : memref<!tpu.dma_semaphore, #tpu.memory_space<semaphore_mem>>) src(%arg9 : memref<2048xi32, #tpu.memory_space<vmem>>) dst(%dma_wait3A_17 : memref<2048xi32, #tpu.memory_space<hbm>>)
      tpu.yield
    }) : () -> ()
    return
  }
}

</mosaic_0001>

<sc_bundles>
// kernel: kernel.3.cloned.1.call-start
scs
__scs_entry_jumppad:
0x0: {  	(pc) =	sbr.rel $0x88, $3  }
0x1: {  	(tag) =	ssettag $0x0;
	lr =	simm.s32 $0x1  }
0x2: {  	[smem:$0x3F9F] =	sst lr;
	_ =	strace $0xD0000000  }
0x3: {  	_ = 	snop  }
0x4: {  	_ = 	snop  }
0x5: {  	_ = 	snop  }
0x6: {  	_ = 	snop  }
0x7: {  	_ = 	snop  }
__scs_overlays_trampoline_lowered:
0x8: {  	[smem:$0x3FAE] =	sst s0  }
0x9: {  	[smem:$0x3FAF] =	sst s1  }
0xa: {  	[smem:$0x3FB0] =	sst s2  }
0xb: {  	[smem:$0x3FB1] =	sst s3  }
0xc: {  	[smem:$0x3FB2] =	sst s4  }
0xd: {  	[smem:$0x3FB3] =	sst s5  }
0xe: {  	[smem:$0x3FB4] =	sst s6  }
0xf: {  	[smem:$0x3FB5] =	sst s7  }
0x10: {  	[smem:$0x3FB6] =	sst s8  }
0x11: {  	[smem:$0x3FB7] =	sst s9;
	s0 =	simm.s32 @!p0 $0x0  }
0x12: {  	s1 =	sld [smem:$0x3F9D];
	s0 =	simm.s32 @p0 $0x1  }
0x13: {  	[smem:$0x3FB8] =	sst s0;
	s0 =	simm.s32 @!p1 $0x0  }
0x14: {  	s2 =	sld [smem:$0x3F9C];
	s0 =	simm.s32 @p1 $0x1  }
0x15: {  	[smem:$0x3FB9] =	sst s0;
	s0 =	simm.s32 @!p2 $0x0  }
0x16: {  	s3 =	sld [smem:$0x3FDB];
	s0 =	simm.s32 @p2 $0x1  }
0x17: {  	s4 =	simm.s32 $0x1BF5;
	[smem:$0x3FBB] =	sst s0  }
0x18: {  	s0 =	sld [smem:$0x3F9E];
	_ =	swait.ge [sflag:s4], $0x0  }
0x19: {  	s7 =	sld [smem:$0x3F9F]  }
0x1a: {  	s8 =	sadd.s32 $0xFFFFE003, lr  }
0x1b: {  	s9 =	sadd.s32 $0xFFFFFEF7, lr;
	s5 =	simm.s32 $0xFFFFFFFF;
	p2 =	slt.u32 s8, $0xFFFFF086  }
0x1c: {  	p1 =	slt.u32 s9, $0xF7A;
	s5 =	simm.s32 @!p2 $0x0  }
0x1d: {  	s5 =	simm.s32 @p1 $0x1;
	p0 =	seq.s32 s7, s2  }
0x1e: {  	s7 =	smul.u32 @!p0 $0xF7A, s2;
	p2 =	seq.s32 @!p0 s5, $0x0  }
0x1f: {  	s9 =	smul.u32 $0xF7A, s1;
	s8 =	simm.s32 @!p0 $0x1BF5;
	p2 =	por !p2, p0  }
0x20: {  	[sflag:s8] =	ssyncset.s32 @!p0 $0xFFFFF086;
	s6 =	sadd.s32 @!p0 s3, s7;
	s7 =	simm.s32 @!p0 $0x108  }
0x21: {  	s3 =	sadd.s32 s3, s9;
	s6 =	sadd.s32 @!p0 $0x88, s6;
	s7 =	simm.s32 @p2 $0x1082  }
0x22: {  	[simem:s7], [sflag:s8] =	dma.local @!p0 [hbm:s6], $0xF7A  }
0x23: {  	s9 =	sor.u32 $0xD0000000, s2;
	s6 =	simm.s32 $0x108;
	_ =	swait.ge @!p0 [sflag:s8], $0x0  }
0x24: {  	s3 =	sadd.s32 $0x88, s3;
	s6 =	simm.s32 @!p1 $0x1082;
	[sflag:s4] =	ssyncset.s32 $0xFFFFF086  }
0x25: {  	[simem:s6], [sflag:s4] =	dma.local [hbm:s3], $0xF7A  }
0x26: {  	[smem:$0x3F9F] =	sst s1;
	(tag) =	ssettag s2;
	_ =	strace s9  }
0x27: {  	s1 =	sld [smem:$0x3FAF]  }
0x28: {  	s2 =	sld [smem:$0x3FB0]  }
0x29: {  	s4 =	sld [smem:$0x3FB2]  }
0x2a: {  	p0 =	seq.s32 s5, $0x0;
	s5 =	sld [smem:$0x3FB3]  }
0x2b: {  	s6 =	sld [smem:$0x3FB4]  }
0x2c: {  	s7 =	sld [smem:$0x3FB5]  }
0x2d: {  	s3 =	simm.s32 $0x108;
	s8 =	sld [smem:$0x3FB6]  }
0x2e: {  	s3 =	simm.s32 @!p0 $0x1082;
	s9 =	sld [smem:$0x3FB7]  }
0x2f: {  	lr =	sadd.s32 s0, s3;
	s0 =	sld [smem:$0x3FAE]  }
0x30: {  	s3 =	sld [smem:$0x3FB1]  }
0x31: {  	[smem:$0x3FBA] =	sst s10  }
0x32: {  	s10 =	sld [smem:$0x3FB8];
	_ =	sdelay $0x3  }
0x33: {  	p0 =	seq.s32 s10, $0x1;
	s10 =	sld [smem:$0x3FBA];
	_ =	sdelay $0x3  }
0x34: {  	[smem:$0x3FBA] =	sst s10  }
0x35: {  	s10 =	sld [smem:$0x3FB9];
	_ =	sdelay $0x3  }
0x36: {  	p1 =	seq.s32 s10, $0x1;
	s10 =	sld [smem:$0x3FBA];
	_ =	sdelay $0x3  }
0x37: {  	[smem:$0x3FBA] =	sst s10  }
0x38: {  	s10 =	sld [smem:$0x3FBB]  }
0x39: {  	_ = 	snop;
	(pc) =	sbr.ind lr, $3  }
0x3a: {  	_ = 	snop  }
0x3b: {  	_ = 	snop  }
0x3c: {  	p2 =	seq.s32 s10, $0x1;
	s10 =	sld [smem:$0x3FBA]  }
0x3d: {  	_ =	shalt  }
0x3e: {  	_ =	shalt  }
0x3f: {  	_ =	shalt  }
0x40: {  	_ =	shalt  }
0x41: {  	_ =	shalt  }
0x42: {  	_ =	shalt  }
0x43: {  	_ =	shalt  }
0x44: {  	_ =	shalt  }
0x45: {  	_ =	shalt  }
0x46: {  	_ =	shalt  }
0x47: {  	_ =	shalt  }
0x48: {  	_ =	shalt  }
0x49: {  	_ =	shalt  }
0x4a: {  	_ =	shalt  }
0x4b: {  	_ =	shalt  }
0x4c: {  	_ =	shalt  }
0x4d: {  	_ =	shalt  }
0x4e: {  	_ =	shalt  }
0x4f: {  	_ =	shalt  }
0x50: {  	_ =	shalt  }
0x51: {  	_ =	shalt  }
0x52: {  	_ =	shalt  }
0x53: {  	_ =	shalt  }
0x54: {  	_ =	shalt  }
0x55: {  	_ =	shalt  }
0x56: {  	_ =	shalt  }
0x57: {  	_ =	shalt  }
0x58: {  	_ =	shalt  }
0x59: {  	_ =	shalt  }
0x5a: {  	_ =	shalt  }
0x5b: {  	_ =	shalt  }
0x5c: {  	_ =	shalt  }
0x5d: {  	_ =	shalt  }
0x5e: {  	_ =	shalt  }
0x5f: {  	_ =	shalt  }
0x60: {  	_ =	shalt  }
0x61: {  	_ =	shalt  }
0x62: {  	_ =	shalt  }
0x63: {  	_ =	shalt  }
0x64: {  	_ =	shalt  }
0x65: {  	_ =	shalt  }
0x66: {  	_ =	shalt  }
0x67: {  	_ =	shalt  }
0x68: {  	_ =	shalt  }
0x69: {  	_ =	shalt  }
0x6a: {  	_ =	shalt  }
0x6b: {  	_ =	shalt  }
0x6c: {  	_ =	shalt  }
0x6d: {  	_ =	shalt  }
0x6e: {  	_ =	shalt  }
0x6f: {  	_ =	shalt  }
0x70: {  	_ =	shalt  }
0x71: {  	_ =	shalt  }
0x72: {  	_ =	shalt  }
0x73: {  	_ =	shalt  }
0x74: {  	_ =	shalt  }
0x75: {  	_ =	shalt  }
0x76: {  	_ =	shalt  }
0x77: {  	_ =	shalt  }
0x78: {  	_ =	shalt  }
0x79: {  	_ =	shalt  }
0x7a: {  	_ =	shalt  }
0x7b: {  	_ =	shalt  }
0x7c: {  	_ =	shalt  }
0x7d: {  	_ =	shalt  }
0x7e: {  	_ =	shalt  }
0x7f: {  	_ =	shalt  }
0x80: {  	_ =	shalt  }
0x81: {  	_ =	shalt  }
0x82: {  	_ =	shalt  }
0x83: {  	_ =	shalt  }
0x84: {  	_ =	shalt  }
0x85: {  	_ =	shalt  }
0x86: {  	_ =	shalt  }
0x87: {  	_ =	shalt  }
.Lfunc_end0:
.L_simem_size_0:
called_computation_lowered:
.L_overlay_start_0:
0x88: {  	s2 =	sld [smem:$0x3FD9]  }
0x89: {  	s3 =	sld [smem:$0x3FFE];
	_ =	sdelay $0x1  }
0x8a: {  	s1 =	srdreg.scid  }
0x8b: {  	s0 =	sand.u32 $0x1, s1  }
0x8c: {  	s17 =	sshll.u32 s0, $0xA;
	s2 =	sadd.s32 s3, s2  }
0x8d: {  	s2 =	sadd.s32 s2, s17  }
0x8e: {  	[smem:$0x3FC6] =	sst s2  }
0x8f: {  	_ = 	snop  }
0x90: {  	s2 =	sld [smem:$0x3FD0];
	(tm) =	ssettm $0x1  }
0x91: {  	s18 =	sld [smem:$0x3FFB];
	_ =	sdelay $0x3  }
0x92: {  	_ =	strace s18  }
0x93: {  	s3 =	sld [smem:$0x3FFC];
	_ =	sdelay $0x3  }
0x94: {  	_ =	strace s3  }
0x95: {  	s3 =	sld [smem:$0x3FFD];
	_ =	sdelay $0x3  }
0x96: {  	_ =	strace s3  }
0x97: {  	_ =	strace $0x8FFFFFFF  }
0x98: {  	s19 =	sld [smem:$0x3FDB];
	_ =	sdelay $0x1  }
0x99: {  	s4 =	simm.s32 $_scs_section_size  }
0x9a: {  	s5 =	simm.s32 $_size__tile_overlayer_lowered;
	s6 =	simm.s32 $_tile_overlayer_lowered  }
0x9b: {  	s22 =	simm.s32 $0x1BFF;
	s21 =	sshll.u32 s6, $0x1;
	s3 =	sadd.s32 s4, s19  }
0x9c: {  	s7 =	simm.s32 $0x0;
	s20 =	sshll.u32 s5, $0x1;
	s5 =	sadd.s32 s21, s3  }
0x9d: {  	[timem:s7], [sflag:s22] =	dma.local [hbm:s5], s20  }
0x9e: {  	_ =	swait.ge [sflag:s22], s20  }
0x9f: {  	s4 =	ssub.s32 $0x0, s20;
	[sflag:s22] =	ssyncset.done $0x0  }
0xa0: {  	[sflag:s22] =	ssyncadd.s32 s4;
	_ =	sdelay $0x1  }
0xa1: {  	s23 =	simm.s32 $0x1B8B  }
0xa2: {  	_ =	swait.ge [sflag:s23], $0x1  }
0xa3: {  	[sflag:s23] =	ssyncset.done $0x0  }
0xa4: {  	s25 =	simm.s32 $0x1B8E;
	s24 =	sld [smem:$0x3FFE];
	[sflag:s23] =	ssyncadd.s32 $0xFFFFFFFF  }
0xa5: {  	s26 =	simm.s32 $execute0_lowered;
	[smem:$0x3FD2] =	sst s25  }
0xa6: {  	s5 =	sshll.u32 s26, $0x1;
	_ =	strace $0x80000046;
	[dreg:$0x1] =	wrdreg $0xFFFFFFFF  }
0xa7: {  	s28 =	simm.s32 $_size_execute0_lowered;
	s3 =	sadd.s32 s3, s5;
	[dreg:$0x0] =	wrdreg $0x0  }
0xa8: {  	s5 =	sshll.u32 s28, $0x1;
	[dreg:$0x2] =	wrdreg s3  }
0xa9: {  	[dreg:$0x3] =	wrdreg s5  }
0xaa: {  	[dreg:$0x4] =	wrdreg $0xC0  }
0xab: {  	_ =	task [dreg:s7], $0x5FFFF  }
0xac: {  	[dreg:$0x1] =	wrdreg $0xFFFFFFFF  }
0xad: {  	[dreg:$0x0] =	wrdreg $0x60  }
0xae: {  	[dreg:$0x2] =	wrdreg s2  }
0xaf: {  	[dreg:$0x3] =	wrdreg s24  }
0xb0: {  	[dreg:$0x4] =	wrdreg $0x9  }
0xb1: {  	_ =	task.clear_ibuf [dreg:s7], $0x5FFFF;
	_ =	strace $0x90000046  }
0xb2: {  	s29 =	simm.s32 $0x9;
	_ =	strace $0x80000048  }
0xb3: {  	_ =	swait.ge [sflag:s29], $0x1  }
0xb4: {  	[sflag:s29] =	ssyncadd.s32 $0xFFFFFFFF  }
0xb5: {  	_ =	strace $0x90000048  }
0xb6: {  	_ =	sfence  }
0xb7: {  	s30 =	sld [smem:$0x0];
	_ =	sdelay $0x2  }
0xb8: {  	s31 =	sshll.u32 s1, $0xD;
	s1 =	sshrl.u32 s1, $0x2  }
0xb9: {  	s3 =	sand.u32 $0x4000, s31;
	s1 =	sadd.s32 s1, s30  }
0xba: {  	s0 =	sor.u32 s3, s0;
	s1 =	sshll.u32 s1, $0x11  }
0xbb: {  	s0 =	sor.u32 s1, s0  }
0xbc: {  	s0 =	sadd.s32 $0x8F2B, s0  }
0xbd: {  	[sflag:s0] =	ssyncadd.remote.s32 $0x1  }
0xbe: {  	_ =	sfence.sel $0xFFFF  }
0xbf: {  	[dreg:$0x0] =	wrdreg $0xFFFFFFFF;
	(pc) =	sbr.abs _section_cstart, $3  }
0xc0: {  	[dreg:$0x1] =	wrdreg $0xFFFFFFFF  }
0xc1: {  	_ =	task.clear_ibuf [dreg:s7], $0x2FFFF;
	_ =	strace $0x9FFFFFFF  }
0xc2: {  	(tm) =	ssettm $0x7FFFFFFF  }
0xc3: {  	_ =	shalt  }
tec
execute0_lowered:
.L_overlay_start_1:
0x0: {  	(tag) =	ssettag $0x1  }
0x1: {  	s2 =	rddreg [dreg:$0x0];
	s0 =	srdreg.scid  }
0x2: {  	s4 =	rddreg [dreg:$0x1];
	s1 =	stileid.u32;
	s3 =	simm.s32 $0x0  }
0x3: {  	s8 =	simm.s32 $0x2000;
	s9 =	simm.s32 $0x2800;
	s10 =	simm.s32 $0x1  }
0x4: {  	s11 =	simm.s32 $0x3000;
	s12 =	simm.s32 $0x2;
	s5 =	sand.u32 $0x1, s0  }
0x5: {  	s13 =	simm.s32 $0x0;
	s6 =	sshll.u32 s1, $0x9;
	s7 =	sshll.u32 s5, $0x8  }
0x6: {  	s0 =	rddreg [dreg:$0x2];
	s5 =	ssub.s32 $0x2, s5;
	s6 =	sor.u32 s7, s6  }
0x7: {  	[smem:$0x7FF] =	sst s3;
	s30 =	sshrl.u32 s5, $0x1;
	s6 =	sadd.s32 s6, s4  }
0x8: {  	_ =	strace $0x80000047;
	s31 =	ssub.s32 s5, s30;
	s4 =	sadd.s32 $0x2400, s6  }
0x9: {  	s5 =	sadd.s32 $0x400, s6;
	s6 =	sadd.s32 $0x4400, s6;
	s7 =	smax.u32 s31, $0x1  }
.LBB2_1:
0xa: {  	[tilespmem:s3], [sflag:$0x1] =	stream.linear.gather [hbm4b:s2+s3], $0x2000, $0x38;
	[tilespmem:$0x3800] =	vst v63  }
0xb: {  	_ = 	snop  }
0xc: {  	[tilespmem:s8], [sflag:$0x1] =	stream.linear.gather [hbm4b:s4+s3], $0x800, $0x38;
	[tilespmem:$0x3800] =	vst v63  }
0xd: {  	_ = 	snop  }
0xe: {  	[tilespmem:s9], [sflag:$0x1] =	stream.linear.gather [hbm4b:s5+s3], $0x800, $0x38;
	[tilespmem:$0x3800] =	vst v63  }
0xf: {  	_ =	swait.ge [sflag:s10], $0x2000  }
0x10: {  	[sflag:s10] =	ssyncset.done $0x0  }
0x11: {  	[sflag:s10] =	ssyncadd.s32 $0xFFFFE000  }
0x12: {  	_ =	swait.ge [sflag:s10], $0x800  }
0x13: {  	[sflag:s10] =	ssyncset.done $0x0  }
0x14: {  	[sflag:s10] =	ssyncadd.s32 $0xFFFFF800  }
0x15: {  	_ =	swait.ge [sflag:s10], $0x800  }
0x16: {  	[sflag:s10] =	ssyncset.done $0x0  }
0x17: {  	s15 =	simm.s32 $0x0;
	[sflag:s10] =	ssyncadd.s32 $0xFFFFF800  }
0x18: {  	v0 =	vld [tilespmem:s15+$0x2000]  }
0x19: {  	v1 =	vld [tilespmem:s15+$0x2800];
	_ =	sdelay $0x3  }
0x1a: {  	v3 =	vand.u32 $0x1FFF, v0  }
0x1b: {  	v4 =	vand.u32 $0x1FFF, v1;
	_ =	sdelay $0x1  }
0x1c: {  	s14 =	simm.s32 $0x10  }
0x1d: {  	v2 =	vld [tilespmem:s14+$0x2000]  }
0x1e: {  	v3 =	vld.idx.msk [tilespmem:v3+s3+$0x0], $0xffff  }
0x1f: {  	s16 =	simm.s32 $0x80;
	v4 =	vld.idx.msk [tilespmem:v4+s3+$0x0], $0xffff  }
.LBB2_2:
0x20: {  	p0 =	sne.s32 s16, $0x1FC0;
	v5 =	vld [tilespmem:s14+$0x2800];
	_ =	sdelay $0x3  }
0x21: {  	v7 =	vshra.s32 v0, $0xD;
	v9 =	vshra.s32 v1, $0xD;
	v6 =	vand.u32 $0x1FFF, v2;
	v0 =	vmovc v2  }
0x22: {  	v2 =	vshrl.u32 v3, v7;
	v3 =	vshrl.u32 v4, v9;
	v8 =	vand.u32 $0x1FFF, v5;
	v1 =	vmovc v5  }
.Ltmp0:
0x23: {  	v2 =	vand.u32 v3, v2;
	(pc) =	sbr.rel @p0 .LBB2_2-.Ltmp0, $4  }
0x24: {  	s17 =	sshra.s32 s16, $0x2;
	v3 =	vand.u32 $0x1, v2  }
0x25: {  	v2 =	vld [tilespmem:s17+$0x2000];
	[tilespmem:s15+$0x3000] =	vst v3;
	s15 =	smov.u32 s14;
	s14 =	smov.u32 s17  }
0x26: {  	v3 =	vld.idx.msk [tilespmem:v6+s3+$0x0], $0xffff  }
0x27: {  	s16 =	sadd.s32 $0x40, s16;
	v4 =	vld.idx.msk [tilespmem:v8+s3+$0x0], $0xffff  }
0x28: {  	v5 =	vld [tilespmem:s14+$0x2800];
	_ =	sdelay $0x3  }
0x29: {  	v0 =	vshra.s32 v0, $0xD;
	v1 =	vshra.s32 v1, $0xD;
	v6 =	vand.u32 $0x1FFF, v2  }
0x2a: {  	v0 =	vshrl.u32 v3, v0;
	v1 =	vshrl.u32 v4, v1;
	v7 =	vand.u32 $0x1FFF, v5  }
0x2b: {  	v0 =	vand.u32 v1, v0  }
0x2c: {  	v0 =	vand.u32 $0x1, v0  }
0x2d: {  	[tilespmem:s15+$0x3000] =	vst v0  }
0x2e: {  	v0 =	vld.idx.msk [tilespmem:v6+s3+$0x0], $0xffff  }
0x2f: {  	v61 =	vld.idx.msk [tilespmem:v7+s3+$0x0], $0xffff;
	_ =	sdelay $0x3  }
0x30: {  	v62 =	vshra.s32 v2, $0xD;
	v63 =	vshra.s32 v5, $0xD  }
0x31: {  	v0 =	vshrl.u32 v0, v62;
	v1 =	vshrl.u32 v61, v63  }
0x32: {  	s13 =	sadd.s32 $0x1, s13;
	v0 =	vand.u32 v1, v0  }
0x33: {  	p0 =	sne.s32 s13, s7;
	v0 =	vand.u32 $0x1, v0  }
.Ltmp1:
0x34: {  	[tilespmem:s14+$0x3000] =	vst v0;
	(pc) =	sbr.rel @p0 .LBB2_1-.Ltmp1, $4  }
0x35: {  	[hbm4b:s6+s3] =	stream.linear.scatter [tilespmem:s11], [sflag:$0x2], $0x800, $0x38;
	[tilespmem:$0x3800] =	vst v63  }
0x36: {  	_ =	swait.ge [sflag:s12], $0x800  }
0x37: {  	[sflag:s12] =	ssyncset.done $0x0  }
0x38: {  	[sflag:s12] =	ssyncadd.s32 $0xFFFFF800  }
0x39: {  	_ =	sfence.sel $0x180000  }
0x3a: {  	[bflag:$0x0] =	sbarrier.arrive $0xFFFF  }
0x3b: {  	p0 =	sne.s32 s1, $0x0;
	_ =	strace $0x90000047  }
0x3c: {  	s0 =	sadd.s32 @!p0 $0x100000, s0;
	[bflag:$0x2] =	sbarrier.arrive $0xFFFF  }
0x3d: {  	[sflag:s0] =	ssyncadd.tile.s32 @!p0 $0x1;
	_ =	shalt  }
.Lfunc_end2:
_tile_overlayer_lowered:
.L_overlay_start_2:
0x3e: {  	(tag) =	ssettag $0x2  }
0x3f: {  	s0 =	rddreg [dreg:$0x0];
	s2 =	stileid.u32  }
0x40: {  	s1 =	rddreg [dreg:$0x1];
	p0 =	sne.s32 s2, $0x0  }
0x41: {  	s3 =	rddreg [dreg:$0x2];
	[bflag:$0x3] =	sbarrier.arrive $0xFFFF;
	s2 =	simm.s32 @!p0 $0x1C02  }
0x42: {  	[timem:s3], [sflag:s2] =	dma.local @!p0 [hbm:s0], s1  }
0x43: {  	s0 =	simm.s32 @!p0 $0x2  }
0x44: {  	_ =	swait.ge @!p0 [sflag:s0], s1  }
0x45: {  	s1 =	ssub.s32 @!p0 $0x0, s1;
	[sflag:s0] =	ssyncset.done @!p0 $0x0  }
0x46: {  	[sflag:s0] =	ssyncadd.s32 @!p0 s1  }
0x47: {  	[bflag:$0x3] =	sbarrier.arrive $0xFFFF  }
0x48: {  	_ =	shalt  }

</sc_bundles>
